<compile_context>
chip_gen: v7x
topology: tpu7x:2x2x1
jax: 0.10.2.dev20260603
libtpu: 0.0.44.dev20260713+nightly
codegen_flags: <defaults>
</compile_context>

<pallas_src>
import functools

import jax
import jax.numpy as jnp
from jax import lax
from jax.experimental import pallas as pl
from jax.experimental.pallas import tpu as pltpu
from jax.experimental.pallas import tpu_sc as plsc

PAD = 0
D_MODEL = 64
NUM_CORES = 2
NUM_SUBCORES = 16
NUM_WORKERS = NUM_CORES * NUM_SUBCORES

IDX_PW = 6400
DESC = 128
N_DESC = IDX_PW // DESC


def _masks_body(tok_ref, pad_ref, seq_ref):
    pad_ref[...] = tok_ref[...] == PAD
    n = seq_ref.shape[0]
    row = lax.broadcasted_iota(jnp.int32, (n, n), 0)
    col = lax.broadcasted_iota(jnp.int32, (n, n), 1)
    seq_ref[...] = col > row


@functools.lru_cache(maxsize=None)
def _make_gather(n_tok):
    assert n_tok == IDX_PW * NUM_WORKERS
    mesh = plsc.VectorSubcoreMesh(core_axis_name="c", subcore_axis_name="s")

    @functools.partial(
        pl.kernel,
        mesh=mesh,
        out_type=jax.ShapeDtypeStruct((n_tok, D_MODEL), jnp.float32),
        scratch_types=[
            pltpu.VMEM((N_DESC, DESC), jnp.int32),
            pltpu.VMEM((2, DESC, D_MODEL), jnp.float32),
            pltpu.SemaphoreType.DMA,
            pltpu.SemaphoreType.DMA,
        ],
        compiler_params=pltpu.CompilerParams(use_tc_tiling_on_sc=False),
    )
    def k(tok_hbm, table_hbm, out_hbm, idx_v, rows_v, sem0, sem1):
        sems = (sem0, sem1)
        wid = lax.axis_index("s") * NUM_CORES + lax.axis_index("c")
        base = wid * IDX_PW

        pltpu.sync_copy(tok_hbm.at[pl.ds(wid * N_DESC, N_DESC)], idx_v)

        def issue_gather(d, b):
            pltpu.async_copy(table_hbm.at[idx_v.at[d]], rows_v.at[b], sems[b])

        def wait_gather(b):
            pltpu.make_async_copy(table_hbm.at[pl.ds(0, DESC)], rows_v.at[b],
                                  sems[b]).wait()

        issue_gather(0, 0)
        issue_gather(1, 1)

        def body(i, carry):
            for b in range(2):
                d = 2 * i + b
                wait_gather(b)
                pltpu.sync_copy(rows_v.at[b],
                                out_hbm.at[pl.ds(base + d * DESC, DESC)])
                issue_gather(d + 2, b)
            return carry

        lax.fori_loop(0, N_DESC // 2 - 1, body, 0)

        for b in range(2):
            d = N_DESC - 2 + b
            wait_gather(b)
            pltpu.sync_copy(rows_v.at[b],
                            out_hbm.at[pl.ds(base + d * DESC, DESC)])

    return k


def kernel(tokens, table):
    bsz, seq_len = tokens.shape
    tok32 = tokens.astype(jnp.int32)
    feats = _make_gather(bsz * seq_len)(tok32.reshape(-1, DESC), table)
    pad, seq = pl.pallas_call(
        _masks_body,
        out_shape=(
            jax.ShapeDtypeStruct((bsz, seq_len), jnp.bool_),
            jax.ShapeDtypeStruct((seq_len, seq_len), jnp.bool_),
        ),
    )(tok32)
    return (feats.reshape(bsz, seq_len, D_MODEL),
            pad[:, None, None, :], seq)

# --- scband reference (transcript-rebuilt; emitter-appended) ---
"""Pipeline reference for scband-usual-embedding-66494683677005 (READ-ONLY COPY).

The authoritative reference and input builder live on the scoring server;
editing this copy changes nothing except your own understanding.
"""

import jax, jax.numpy as jnp
import numpy as np

NUM_EMBEDDINGS = 1000000
D_MODEL = 64
PADDING_IDX = 0


def setup_inputs(seed: int = 0) -> dict:
    key = jax.random.key(seed)
    k_tok, k_tab = jax.random.split(key)
    tokens = jax.random.randint(k_tok, (1024, 200), 0, NUM_EMBEDDINGS, dtype=jnp.int64 if jax.config.jax_enable_x64 else jnp.int32)
    table = jax.random.normal(k_tab, (NUM_EMBEDDINGS, D_MODEL), dtype=jnp.float32)
    # nn.Embedding zeros the padding_idx row at init
    table = table.at[PADDING_IDX].set(0.0)
    return {"tokens": tokens, "table": table}


def reference(tokens, table):
    # generate_padding_mask: True where token == padding_idx, broadcastable mask
    padding_masks = (tokens == PADDING_IDX)[:, None, None, :]
    seq_len = tokens.shape[-1]
    # generate_sequential_mask: causal mask (True above the diagonal = masked)
    sequential_masks = jnp.triu(jnp.ones((seq_len, seq_len), dtype=bool), k=1)
    # embedding lookup (gather rows)
    features = jnp.take(table, tokens, axis=0)
    return (features, padding_masks, sequential_masks)

if __name__ == "__main__":
    import jax
    _d = setup_inputs()
    print(jax.jit(kernel)(*tuple(_d.values())))

</pallas_src>

<mosaic_0001>
#map = affine_map<(d0, d1) -> (0, 0)>
module attributes {stable_mosaic.version = 14 : i64} {
  func.func @k(%arg0: i32, %arg1: i32, %arg2: memref<1600x128xi32, #tpu.memory_space<hbm>>, %arg3: memref<1000000x64xf32, #tpu.memory_space<hbm>>, %arg4: memref<204800x64xf32, #tpu.memory_space<hbm>>, %arg5: memref<50x128xi32, #tpu.memory_space<vmem>>, %arg6: memref<2x128x64xf32, #tpu.memory_space<vmem>>, %arg7: memref<!tpu.dma_semaphore, #tpu.memory_space<semaphore_mem>>, %arg8: memref<!tpu.dma_semaphore, #tpu.memory_space<semaphore_mem>>) attributes {dimension_semantics = [#tpu.dimension_semantics<core_parallel>, #tpu.dimension_semantics<subcore_parallel>], iteration_bounds = array<i64: 2, 16>, scalar_prefetch = 0 : i64, scratch_operands = 4 : i64, tpu.core_type = #tpu.core_type<sc_vector_subcore>, window_params = [{transform_indices = #map}, {transform_indices = #map}, {transform_indices = #map}]} {
    %mul3A = arith.constant 2 : i32
    %mul3A_0 = arith.muli %arg1, %mul3A : i32
    %add3A = arith.addi %mul3A_0, %arg0 : i32
    %mul3A_1 = arith.constant 6400 : i32
    %mul3A_2 = arith.muli %add3A, %mul3A_1 : i32
    %mul3A_3 = arith.constant 50 : i32
    %mul3A_4 = arith.muli %add3A, %mul3A_3 : i32
    "tpu.region"() ({
      %run_scoped3A_67 = tpu.sem_alloc : memref<!tpu.dma_semaphore, #tpu.memory_space<semaphore_mem>>
      %dma_start3A_68 = arith.constant 0 : i32
      %dma_start3A_69 = tpu.memref_slice %arg2[%mul3A_4, %dma_start3A_68] : memref<1600x128xi32, #tpu.memory_space<hbm>> -> memref<50x128xi32, #tpu.memory_space<hbm>>
      %dma_start3A_70 = arith.constant 0 : i32
      %dma_start3A_71 = tpu.memref_slice %arg2[%mul3A_4, %dma_start3A_70] : memref<1600x128xi32, #tpu.memory_space<hbm>> -> memref<50x128xi32, #tpu.memory_space<hbm>>
      tpu.enqueue_dma source(%dma_start3A_71 : memref<50x128xi32, #tpu.memory_space<hbm>>) target(%arg5 : memref<50x128xi32, #tpu.memory_space<vmem>>) target_semaphore(%run_scoped3A_67 : memref<!tpu.dma_semaphore, #tpu.memory_space<semaphore_mem>>)
      %dma_wait3A_72 = arith.constant 0 : i32
      %dma_wait3A_73 = tpu.memref_slice %arg2[%mul3A_4, %dma_wait3A_72] : memref<1600x128xi32, #tpu.memory_space<hbm>> -> memref<50x128xi32, #tpu.memory_space<hbm>>
      %dma_wait3A_74 = arith.constant 0 : i32
      %dma_wait3A_75 = tpu.memref_slice %arg2[%mul3A_4, %dma_wait3A_74] : memref<1600x128xi32, #tpu.memory_space<hbm>> -> memref<50x128xi32, #tpu.memory_space<hbm>>
      tpu.wait_dma2 semaphore(%run_scoped3A_67 : memref<!tpu.dma_semaphore, #tpu.memory_space<semaphore_mem>>) src(%dma_wait3A_75 : memref<50x128xi32, #tpu.memory_space<hbm>>) dst(%arg5 : memref<50x128xi32, #tpu.memory_space<vmem>>)
      tpu.yield
    }) : () -> ()
    %dma_start3A = arith.constant 0 : i32
    %dma_start3A_5 = arith.constant 0 : i32
    %dma_start3A_6 = arith.constant 0 : i32
    %dma_start3A_7 = arith.constant 0 : i32
    %dma_start3A_8 = tpu.memref_slice %arg6[%dma_start3A_5, %dma_start3A_6, %dma_start3A_7] : memref<2x128x64xf32, #tpu.memory_space<vmem>> -> memref<1x128x64xf32, #tpu.memory_space<vmem>>
    %dma_start3A_9 = tpu.memref_squeeze %dma_start3A_8 : memref<1x128x64xf32, #tpu.memory_space<vmem>> -> memref<128x64xf32, #tpu.memory_space<vmem>>
    %dma_start3A_10 = arith.constant 0 : i32
    %dma_start3A_11 = tpu.memref_slice %arg5[%dma_start3A, %dma_start3A_10] : memref<50x128xi32, #tpu.memory_space<vmem>> -> memref<1x128xi32, #tpu.memory_space<vmem>>
    %dma_start3A_12 = tpu.memref_squeeze %dma_start3A_11 : memref<1x128xi32, #tpu.memory_space<vmem>> -> memref<128xi32, #tpu.memory_space<vmem>>
    %dma_start3A_13 = arith.constant 0 : i32
    %dma_start3A_14 = arith.constant 0 : i32
    %dma_start3A_15 = tpu.memref_slice %arg3[%dma_start3A_13, %dma_start3A_14] : memref<1000000x64xf32, #tpu.memory_space<hbm>> -> memref<1000000x64xf32, #tpu.memory_space<hbm>>
    tpu.enqueue_indirect_dma source(%dma_start3A_15 : memref<1000000x64xf32, #tpu.memory_space<hbm>>) target(%dma_start3A_9 : memref<128x64xf32, #tpu.memory_space<vmem>>) offsets(%dma_start3A_12 : memref<128xi32, #tpu.memory_space<vmem>>) semaphore(%arg7 : memref<!tpu.dma_semaphore, #tpu.memory_space<semaphore_mem>>)
    %dma_start3A_16 = arith.constant 1 : i32
    %dma_start3A_17 = arith.constant 1 : i32
    %dma_start3A_18 = arith.constant 0 : i32
    %dma_start3A_19 = arith.constant 0 : i32
    %dma_start3A_20 = tpu.memref_slice %arg6[%dma_start3A_17, %dma_start3A_18, %dma_start3A_19] : memref<2x128x64xf32, #tpu.memory_space<vmem>> -> memref<1x128x64xf32, #tpu.memory_space<vmem>>
    %dma_start3A_21 = tpu.memref_squeeze %dma_start3A_20 : memref<1x128x64xf32, #tpu.memory_space<vmem>> -> memref<128x64xf32, #tpu.memory_space<vmem>>
    %dma_start3A_22 = arith.constant 0 : i32
    %dma_start3A_23 = tpu.memref_slice %arg5[%dma_start3A_16, %dma_start3A_22] : memref<50x128xi32, #tpu.memory_space<vmem>> -> memref<1x128xi32, #tpu.memory_space<vmem>>
    %dma_start3A_24 = tpu.memref_squeeze %dma_start3A_23 : memref<1x128xi32, #tpu.memory_space<vmem>> -> memref<128xi32, #tpu.memory_space<vmem>>
    %dma_start3A_25 = arith.constant 0 : i32
    %dma_start3A_26 = arith.constant 0 : i32
    %dma_start3A_27 = tpu.memref_slice %arg3[%dma_start3A_25, %dma_start3A_26] : memref<1000000x64xf32, #tpu.memory_space<hbm>> -> memref<1000000x64xf32, #tpu.memory_space<hbm>>
    tpu.enqueue_indirect_dma source(%dma_start3A_27 : memref<1000000x64xf32, #tpu.memory_space<hbm>>) target(%dma_start3A_21 : memref<128x64xf32, #tpu.memory_space<vmem>>) offsets(%dma_start3A_24 : memref<128xi32, #tpu.memory_space<vmem>>) semaphore(%arg8 : memref<!tpu.dma_semaphore, #tpu.memory_space<semaphore_mem>>)
    %scan3A = arith.constant 0 : i32
    %scan3A_28 = arith.constant 0 : i32
    %scan3A_29 = arith.constant 24 : i32
    %scan3A_30 = arith.addi %scan3A_28, %scan3A_29 : i32
    %scan3A_31 = arith.constant 1 : i32
    scf.for %scan3A_67 = %scan3A_28 to %scan3A_30 step %scan3A_31  : i32 {
      %mul3A_68 = arith.constant 2 : i32
      %mul3A_69 = arith.muli %mul3A_68, %scan3A_67 : i32
      %add3A_70 = arith.constant 0 : i32
      %add3A_71 = arith.addi %mul3A_69, %add3A_70 : i32
      %dma_wait3A_72 = arith.constant 0 : i32
      %dma_wait3A_73 = arith.constant 0 : i32
      %dma_wait3A_74 = arith.constant 0 : i32
      %dma_wait3A_75 = tpu.memref_slice %arg6[%dma_wait3A_72, %dma_wait3A_73, %dma_wait3A_74] : memref<2x128x64xf32, #tpu.memory_space<vmem>> -> memref<1x128x64xf32, #tpu.memory_space<vmem>>
      %dma_wait3A_76 = tpu.memref_squeeze %dma_wait3A_75 : memref<1x128x64xf32, #tpu.memory_space<vmem>> -> memref<128x64xf32, #tpu.memory_space<vmem>>
      %dma_wait3A_77 = arith.constant 0 : i32
      %dma_wait3A_78 = arith.constant 0 : i32
      %dma_wait3A_79 = tpu.memref_slice %arg3[%dma_wait3A_77, %dma_wait3A_78] : memref<1000000x64xf32, #tpu.memory_space<hbm>> -> memref<128x64xf32, #tpu.memory_space<hbm>>
      %dma_wait3A_80 = arith.constant 0 : i32
      %dma_wait3A_81 = arith.constant 0 : i32
      %dma_wait3A_82 = tpu.memref_slice %arg6[%dma_wait3A_72, %dma_wait3A_80, %dma_wait3A_81] : memref<2x128x64xf32, #tpu.memory_space<vmem>> -> memref<1x128x64xf32, #tpu.memory_space<vmem>>
      %dma_wait3A_83 = tpu.memref_squeeze %dma_wait3A_82 : memref<1x128x64xf32, #tpu.memory_space<vmem>> -> memref<128x64xf32, #tpu.memory_space<vmem>>
      %dma_wait3A_84 = arith.constant 0 : i32
      %dma_wait3A_85 = arith.constant 0 : i32
      %dma_wait3A_86 = tpu.memref_slice %arg3[%dma_wait3A_84, %dma_wait3A_85] : memref<1000000x64xf32, #tpu.memory_space<hbm>> -> memref<128x64xf32, #tpu.memory_space<hbm>>
      tpu.wait_dma2 semaphore(%arg7 : memref<!tpu.dma_semaphore, #tpu.memory_space<semaphore_mem>>) src(%dma_wait3A_86 : memref<128x64xf32, #tpu.memory_space<hbm>>) dst(%dma_wait3A_83 : memref<128x64xf32, #tpu.memory_space<vmem>>)
      %mul3A_87 = arith.constant 128 : i32
      %mul3A_88 = arith.muli %add3A_71, %mul3A_87 : i32
      %add3A_89 = arith.addi %mul3A_2, %mul3A_88 : i32
      %run_scoped3A_90 = arith.constant 0 : i32
      "tpu.region"() ({
        %run_scoped3A_140 = tpu.sem_alloc : memref<!tpu.dma_semaphore, #tpu.memory_space<semaphore_mem>>
        %dma_start3A_141 = arith.constant 0 : i32
        %dma_start3A_142 = arith.constant 0 : i32
        %dma_start3A_143 = tpu.memref_slice %arg6[%run_scoped3A_90, %dma_start3A_141, %dma_start3A_142] : memref<2x128x64xf32, #tpu.memory_space<vmem>> -> memref<1x128x64xf32, #tpu.memory_space<vmem>>
        %dma_start3A_144 = tpu.memref_squeeze %dma_start3A_143 : memref<1x128x64xf32, #tpu.memory_space<vmem>> -> memref<128x64xf32, #tpu.memory_space<vmem>>
        %dma_start3A_145 = arith.constant 0 : i32
        %dma_start3A_146 = tpu.memref_slice %arg4[%add3A_89, %dma_start3A_145] : memref<204800x64xf32, #tpu.memory_space<hbm>> -> memref<128x64xf32, #tpu.memory_space<hbm>>
        %dma_start3A_147 = arith.constant 0 : i32
        %dma_start3A_148 = tpu.memref_slice %arg4[%add3A_89, %dma_start3A_147] : memref<204800x64xf32, #tpu.memory_space<hbm>> -> memref<128x64xf32, #tpu.memory_space<hbm>>
        %dma_start3A_149 = arith.constant 0 : i32
        %dma_start3A_150 = arith.constant 0 : i32
        %dma_start3A_151 = tpu.memref_slice %arg6[%run_scoped3A_90, %dma_start3A_149, %dma_start3A_150] : memref<2x128x64xf32, #tpu.memory_space<vmem>> -> memref<1x128x64xf32, #tpu.memory_space<vmem>>
        %dma_start3A_152 = tpu.memref_squeeze %dma_start3A_151 : memref<1x128x64xf32, #tpu.memory_space<vmem>> -> memref<128x64xf32, #tpu.memory_space<vmem>>
        tpu.enqueue_dma source(%dma_start3A_152 : memref<128x64xf32, #tpu.memory_space<vmem>>) target(%dma_start3A_148 : memref<128x64xf32, #tpu.memory_space<hbm>>) target_semaphore(%run_scoped3A_140 : memref<!tpu.dma_semaphore, #tpu.memory_space<semaphore_mem>>)
        %dma_wait3A_153 = arith.constant 0 : i32
        %dma_wait3A_154 = arith.constant 0 : i32
        %dma_wait3A_155 = tpu.memref_slice %arg6[%run_scoped3A_90, %dma_wait3A_153, %dma_wait3A_154] : memref<2x128x64xf32, #tpu.memory_space<vmem>> -> memref<1x128x64xf32, #tpu.memory_space<vmem>>
        %dma_wait3A_156 = tpu.memref_squeeze %dma_wait3A_155 : memref<1x128x64xf32, #tpu.memory_space<vmem>> -> memref<128x64xf32, #tpu.memory_space<vmem>>
        %dma_wait3A_157 = arith.constant 0 : i32
        %dma_wait3A_158 = tpu.memref_slice %arg4[%add3A_89, %dma_wait3A_157] : memref<204800x64xf32, #tpu.memory_space<hbm>> -> memref<128x64xf32, #tpu.memory_space<hbm>>
        %dma_wait3A_159 = arith.constant 0 : i32
        %dma_wait3A_160 = tpu.memref_slice %arg4[%add3A_89, %dma_wait3A_159] : memref<204800x64xf32, #tpu.memory_space<hbm>> -> memref<128x64xf32, #tpu.memory_space<hbm>>
        %dma_wait3A_161 = arith.constant 0 : i32
        %dma_wait3A_162 = arith.constant 0 : i32
        %dma_wait3A_163 = tpu.memref_slice %arg6[%run_scoped3A_90, %dma_wait3A_161, %dma_wait3A_162] : memref<2x128x64xf32, #tpu.memory_space<vmem>> -> memref<1x128x64xf32, #tpu.memory_space<vmem>>
        %dma_wait3A_164 = tpu.memref_squeeze %dma_wait3A_163 : memref<1x128x64xf32, #tpu.memory_space<vmem>> -> memref<128x64xf32, #tpu.memory_space<vmem>>
        tpu.wait_dma2 semaphore(%run_scoped3A_140 : memref<!tpu.dma_semaphore, #tpu.memory_space<semaphore_mem>>) src(%dma_wait3A_164 : memref<128x64xf32, #tpu.memory_space<vmem>>) dst(%dma_wait3A_160 : memref<128x64xf32, #tpu.memory_space<hbm>>)
        tpu.yield
      }) : () -> ()
      %add3A_91 = arith.constant 2 : i32
      %add3A_92 = arith.addi %add3A_71, %add3A_91 : i32
      %dma_start3A_93 = arith.constant 0 : i32
      %dma_start3A_94 = arith.constant 0 : i32
      %dma_start3A_95 = arith.constant 0 : i32
      %dma_start3A_96 = tpu.memref_slice %arg6[%dma_start3A_93, %dma_start3A_94, %dma_start3A_95] : memref<2x128x64xf32, #tpu.memory_space<vmem>> -> memref<1x128x64xf32, #tpu.memory_space<vmem>>
      %dma_start3A_97 = tpu.memref_squeeze %dma_start3A_96 : memref<1x128x64xf32, #tpu.memory_space<vmem>> -> memref<128x64xf32, #tpu.memory_space<vmem>>
      %dma_start3A_98 = arith.constant 0 : i32
      %dma_start3A_99 = tpu.memref_slice %arg5[%add3A_92, %dma_start3A_98] : memref<50x128xi32, #tpu.memory_space<vmem>> -> memref<1x128xi32, #tpu.memory_space<vmem>>
      %dma_start3A_100 = tpu.memref_squeeze %dma_start3A_99 : memref<1x128xi32, #tpu.memory_space<vmem>> -> memref<128xi32, #tpu.memory_space<vmem>>
      %dma_start3A_101 = arith.constant 0 : i32
      %dma_start3A_102 = arith.constant 0 : i32
      %dma_start3A_103 = tpu.memref_slice %arg3[%dma_start3A_101, %dma_start3A_102] : memref<1000000x64xf32, #tpu.memory_space<hbm>> -> memref<1000000x64xf32, #tpu.memory_space<hbm>>
      tpu.enqueue_indirect_dma source(%dma_start3A_103 : memref<1000000x64xf32, #tpu.memory_space<hbm>>) target(%dma_start3A_97 : memref<128x64xf32, #tpu.memory_space<vmem>>) offsets(%dma_start3A_100 : memref<128xi32, #tpu.memory_space<vmem>>) semaphore(%arg7 : memref<!tpu.dma_semaphore, #tpu.memory_space<semaphore_mem>>)
      %mul3A_104 = arith.constant 2 : i32
      %mul3A_105 = arith.muli %mul3A_104, %scan3A_67 : i32
      %add3A_106 = arith.constant 1 : i32
      %add3A_107 = arith.addi %mul3A_105, %add3A_106 : i32
      %dma_wait3A_108 = arith.constant 1 : i32
      %dma_wait3A_109 = arith.constant 0 : i32
      %dma_wait3A_110 = arith.constant 0 : i32
      %dma_wait3A_111 = tpu.memref_slice %arg6[%dma_wait3A_108, %dma_wait3A_109, %dma_wait3A_110] : memref<2x128x64xf32, #tpu.memory_space<vmem>> -> memref<1x128x64xf32, #tpu.memory_space<vmem>>
      %dma_wait3A_112 = tpu.memref_squeeze %dma_wait3A_111 : memref<1x128x64xf32, #tpu.memory_space<vmem>> -> memref<128x64xf32, #tpu.memory_space<vmem>>
      %dma_wait3A_113 = arith.constant 0 : i32
      %dma_wait3A_114 = arith.constant 0 : i32
      %dma_wait3A_115 = tpu.memref_slice %arg3[%dma_wait3A_113, %dma_wait3A_114] : memref<1000000x64xf32, #tpu.memory_space<hbm>> -> memref<128x64xf32, #tpu.memory_space<hbm>>
      %dma_wait3A_116 = arith.constant 0 : i32
      %dma_wait3A_117 = arith.constant 0 : i32
      %dma_wait3A_118 = tpu.memref_slice %arg6[%dma_wait3A_108, %dma_wait3A_116, %dma_wait3A_117] : memref<2x128x64xf32, #tpu.memory_space<vmem>> -> memref<1x128x64xf32, #tpu.memory_space<vmem>>
      %dma_wait3A_119 = tpu.memref_squeeze %dma_wait3A_118 : memref<1x128x64xf32, #tpu.memory_space<vmem>> -> memref<128x64xf32, #tpu.memory_space<vmem>>
      %dma_wait3A_120 = arith.constant 0 : i32
      %dma_wait3A_121 = arith.constant 0 : i32
      %dma_wait3A_122 = tpu.memref_slice %arg3[%dma_wait3A_120, %dma_wait3A_121] : memref<1000000x64xf32, #tpu.memory_space<hbm>> -> memref<128x64xf32, #tpu.memory_space<hbm>>
      tpu.wait_dma2 semaphore(%arg8 : memref<!tpu.dma_semaphore, #tpu.memory_space<semaphore_mem>>) src(%dma_wait3A_122 : memref<128x64xf32, #tpu.memory_space<hbm>>) dst(%dma_wait3A_119 : memref<128x64xf32, #tpu.memory_space<vmem>>)
      %mul3A_123 = arith.constant 128 : i32
      %mul3A_124 = arith.muli %add3A_107, %mul3A_123 : i32
      %add3A_125 = arith.addi %mul3A_2, %mul3A_124 : i32
      %run_scoped3A_126 = arith.constant 1 : i32
      "tpu.region"() ({
        %run_scoped3A_140 = tpu.sem_alloc : memref<!tpu.dma_semaphore, #tpu.memory_space<semaphore_mem>>
        %dma_start3A_141 = arith.constant 0 : i32
        %dma_start3A_142 = arith.constant 0 : i32
        %dma_start3A_143 = tpu.memref_slice %arg6[%run_scoped3A_126, %dma_start3A_141, %dma_start3A_142] : memref<2x128x64xf32, #tpu.memory_space<vmem>> -> memref<1x128x64xf32, #tpu.memory_space<vmem>>
        %dma_start3A_144 = tpu.memref_squeeze %dma_start3A_143 : memref<1x128x64xf32, #tpu.memory_space<vmem>> -> memref<128x64xf32, #tpu.memory_space<vmem>>
        %dma_start3A_145 = arith.constant 0 : i32
        %dma_start3A_146 = tpu.memref_slice %arg4[%add3A_125, %dma_start3A_145] : memref<204800x64xf32, #tpu.memory_space<hbm>> -> memref<128x64xf32, #tpu.memory_space<hbm>>
        %dma_start3A_147 = arith.constant 0 : i32
        %dma_start3A_148 = tpu.memref_slice %arg4[%add3A_125, %dma_start3A_147] : memref<204800x64xf32, #tpu.memory_space<hbm>> -> memref<128x64xf32, #tpu.memory_space<hbm>>
        %dma_start3A_149 = arith.constant 0 : i32
        %dma_start3A_150 = arith.constant 0 : i32
        %dma_start3A_151 = tpu.memref_slice %arg6[%run_scoped3A_126, %dma_start3A_149, %dma_start3A_150] : memref<2x128x64xf32, #tpu.memory_space<vmem>> -> memref<1x128x64xf32, #tpu.memory_space<vmem>>
        %dma_start3A_152 = tpu.memref_squeeze %dma_start3A_151 : memref<1x128x64xf32, #tpu.memory_space<vmem>> -> memref<128x64xf32, #tpu.memory_space<vmem>>
        tpu.enqueue_dma source(%dma_start3A_152 : memref<128x64xf32, #tpu.memory_space<vmem>>) target(%dma_start3A_148 : memref<128x64xf32, #tpu.memory_space<hbm>>) target_semaphore(%run_scoped3A_140 : memref<!tpu.dma_semaphore, #tpu.memory_space<semaphore_mem>>)
        %dma_wait3A_153 = arith.constant 0 : i32
        %dma_wait3A_154 = arith.constant 0 : i32
        %dma_wait3A_155 = tpu.memref_slice %arg6[%run_scoped3A_126, %dma_wait3A_153, %dma_wait3A_154] : memref<2x128x64xf32, #tpu.memory_space<vmem>> -> memref<1x128x64xf32, #tpu.memory_space<vmem>>
        %dma_wait3A_156 = tpu.memref_squeeze %dma_wait3A_155 : memref<1x128x64xf32, #tpu.memory_space<vmem>> -> memref<128x64xf32, #tpu.memory_space<vmem>>
        %dma_wait3A_157 = arith.constant 0 : i32
        %dma_wait3A_158 = tpu.memref_slice %arg4[%add3A_125, %dma_wait3A_157] : memref<204800x64xf32, #tpu.memory_space<hbm>> -> memref<128x64xf32, #tpu.memory_space<hbm>>
        %dma_wait3A_159 = arith.constant 0 : i32
        %dma_wait3A_160 = tpu.memref_slice %arg4[%add3A_125, %dma_wait3A_159] : memref<204800x64xf32, #tpu.memory_space<hbm>> -> memref<128x64xf32, #tpu.memory_space<hbm>>
        %dma_wait3A_161 = arith.constant 0 : i32
        %dma_wait3A_162 = arith.constant 0 : i32
        %dma_wait3A_163 = tpu.memref_slice %arg6[%run_scoped3A_126, %dma_wait3A_161, %dma_wait3A_162] : memref<2x128x64xf32, #tpu.memory_space<vmem>> -> memref<1x128x64xf32, #tpu.memory_space<vmem>>
        %dma_wait3A_164 = tpu.memref_squeeze %dma_wait3A_163 : memref<1x128x64xf32, #tpu.memory_space<vmem>> -> memref<128x64xf32, #tpu.memory_space<vmem>>
        tpu.wait_dma2 semaphore(%run_scoped3A_140 : memref<!tpu.dma_semaphore, #tpu.memory_space<semaphore_mem>>) src(%dma_wait3A_164 : memref<128x64xf32, #tpu.memory_space<vmem>>) dst(%dma_wait3A_160 : memref<128x64xf32, #tpu.memory_space<hbm>>)
        tpu.yield
      }) : () -> ()
      %add3A_127 = arith.constant 2 : i32
      %add3A_128 = arith.addi %add3A_107, %add3A_127 : i32
      %dma_start3A_129 = arith.constant 1 : i32
      %dma_start3A_130 = arith.constant 0 : i32
      %dma_start3A_131 = arith.constant 0 : i32
      %dma_start3A_132 = tpu.memref_slice %arg6[%dma_start3A_129, %dma_start3A_130, %dma_start3A_131] : memref<2x128x64xf32, #tpu.memory_space<vmem>> -> memref<1x128x64xf32, #tpu.memory_space<vmem>>
      %dma_start3A_133 = tpu.memref_squeeze %dma_start3A_132 : memref<1x128x64xf32, #tpu.memory_space<vmem>> -> memref<128x64xf32, #tpu.memory_space<vmem>>
      %dma_start3A_134 = arith.constant 0 : i32
      %dma_start3A_135 = tpu.memref_slice %arg5[%add3A_128, %dma_start3A_134] : memref<50x128xi32, #tpu.memory_space<vmem>> -> memref<1x128xi32, #tpu.memory_space<vmem>>
      %dma_start3A_136 = tpu.memref_squeeze %dma_start3A_135 : memref<1x128xi32, #tpu.memory_space<vmem>> -> memref<128xi32, #tpu.memory_space<vmem>>
      %dma_start3A_137 = arith.constant 0 : i32
      %dma_start3A_138 = arith.constant 0 : i32
      %dma_start3A_139 = tpu.memref_slice %arg3[%dma_start3A_137, %dma_start3A_138] : memref<1000000x64xf32, #tpu.memory_space<hbm>> -> memref<1000000x64xf32, #tpu.memory_space<hbm>>
      tpu.enqueue_indirect_dma source(%dma_start3A_139 : memref<1000000x64xf32, #tpu.memory_space<hbm>>) target(%dma_start3A_133 : memref<128x64xf32, #tpu.memory_space<vmem>>) offsets(%dma_start3A_136 : memref<128xi32, #tpu.memory_space<vmem>>) semaphore(%arg8 : memref<!tpu.dma_semaphore, #tpu.memory_space<semaphore_mem>>)
    }
    %scan3A_32 = arith.constant 24 : i32
    %dma_wait3A = arith.constant 0 : i32
    %dma_wait3A_33 = arith.constant 0 : i32
    %dma_wait3A_34 = arith.constant 0 : i32
    %dma_wait3A_35 = tpu.memref_slice %arg6[%dma_wait3A, %dma_wait3A_33, %dma_wait3A_34] : memref<2x128x64xf32, #tpu.memory_space<vmem>> -> memref<1x128x64xf32, #tpu.memory_space<vmem>>
    %dma_wait3A_36 = tpu.memref_squeeze %dma_wait3A_35 : memref<1x128x64xf32, #tpu.memory_space<vmem>> -> memref<128x64xf32, #tpu.memory_space<vmem>>
    %dma_wait3A_37 = arith.constant 0 : i32
    %dma_wait3A_38 = arith.constant 0 : i32
    %dma_wait3A_39 = tpu.memref_slice %arg3[%dma_wait3A_37, %dma_wait3A_38] : memref<1000000x64xf32, #tpu.memory_space<hbm>> -> memref<128x64xf32, #tpu.memory_space<hbm>>
    %dma_wait3A_40 = arith.constant 0 : i32
    %dma_wait3A_41 = arith.constant 0 : i32
    %dma_wait3A_42 = tpu.memref_slice %arg6[%dma_wait3A, %dma_wait3A_40, %dma_wait3A_41] : memref<2x128x64xf32, #tpu.memory_space<vmem>> -> memref<1x128x64xf32, #tpu.memory_space<vmem>>
    %dma_wait3A_43 = tpu.memref_squeeze %dma_wait3A_42 : memref<1x128x64xf32, #tpu.memory_space<vmem>> -> memref<128x64xf32, #tpu.memory_space<vmem>>
    %dma_wait3A_44 = arith.constant 0 : i32
    %dma_wait3A_45 = arith.constant 0 : i32
    %dma_wait3A_46 = tpu.memref_slice %arg3[%dma_wait3A_44, %dma_wait3A_45] : memref<1000000x64xf32, #tpu.memory_space<hbm>> -> memref<128x64xf32, #tpu.memory_space<hbm>>
    tpu.wait_dma2 semaphore(%arg7 : memref<!tpu.dma_semaphore, #tpu.memory_space<semaphore_mem>>) src(%dma_wait3A_46 : memref<128x64xf32, #tpu.memory_space<hbm>>) dst(%dma_wait3A_43 : memref<128x64xf32, #tpu.memory_space<vmem>>)
    %add3A_47 = arith.constant 6144 : i32
    %add3A_48 = arith.addi %mul3A_2, %add3A_47 : i32
    %run_scoped3A = arith.constant 0 : i32
    "tpu.region"() ({
      %run_scoped3A_67 = tpu.sem_alloc : memref<!tpu.dma_semaphore, #tpu.memory_space<semaphore_mem>>
      %dma_start3A_68 = arith.constant 0 : i32
      %dma_start3A_69 = arith.constant 0 : i32
      %dma_start3A_70 = tpu.memref_slice %arg6[%run_scoped3A, %dma_start3A_68, %dma_start3A_69] : memref<2x128x64xf32, #tpu.memory_space<vmem>> -> memref<1x128x64xf32, #tpu.memory_space<vmem>>
      %dma_start3A_71 = tpu.memref_squeeze %dma_start3A_70 : memref<1x128x64xf32, #tpu.memory_space<vmem>> -> memref<128x64xf32, #tpu.memory_space<vmem>>
      %dma_start3A_72 = arith.constant 0 : i32
      %dma_start3A_73 = tpu.memref_slice %arg4[%add3A_48, %dma_start3A_72] : memref<204800x64xf32, #tpu.memory_space<hbm>> -> memref<128x64xf32, #tpu.memory_space<hbm>>
      %dma_start3A_74 = arith.constant 0 : i32
      %dma_start3A_75 = tpu.memref_slice %arg4[%add3A_48, %dma_start3A_74] : memref<204800x64xf32, #tpu.memory_space<hbm>> -> memref<128x64xf32, #tpu.memory_space<hbm>>
      %dma_start3A_76 = arith.constant 0 : i32
      %dma_start3A_77 = arith.constant 0 : i32
      %dma_start3A_78 = tpu.memref_slice %arg6[%run_scoped3A, %dma_start3A_76, %dma_start3A_77] : memref<2x128x64xf32, #tpu.memory_space<vmem>> -> memref<1x128x64xf32, #tpu.memory_space<vmem>>
      %dma_start3A_79 = tpu.memref_squeeze %dma_start3A_78 : memref<1x128x64xf32, #tpu.memory_space<vmem>> -> memref<128x64xf32, #tpu.memory_space<vmem>>
      tpu.enqueue_dma source(%dma_start3A_79 : memref<128x64xf32, #tpu.memory_space<vmem>>) target(%dma_start3A_75 : memref<128x64xf32, #tpu.memory_space<hbm>>) target_semaphore(%run_scoped3A_67 : memref<!tpu.dma_semaphore, #tpu.memory_space<semaphore_mem>>)
      %dma_wait3A_80 = arith.constant 0 : i32
      %dma_wait3A_81 = arith.constant 0 : i32
      %dma_wait3A_82 = tpu.memref_slice %arg6[%run_scoped3A, %dma_wait3A_80, %dma_wait3A_81] : memref<2x128x64xf32, #tpu.memory_space<vmem>> -> memref<1x128x64xf32, #tpu.memory_space<vmem>>
      %dma_wait3A_83 = tpu.memref_squeeze %dma_wait3A_82 : memref<1x128x64xf32, #tpu.memory_space<vmem>> -> memref<128x64xf32, #tpu.memory_space<vmem>>
      %dma_wait3A_84 = arith.constant 0 : i32
      %dma_wait3A_85 = tpu.memref_slice %arg4[%add3A_48, %dma_wait3A_84] : memref<204800x64xf32, #tpu.memory_space<hbm>> -> memref<128x64xf32, #tpu.memory_space<hbm>>
      %dma_wait3A_86 = arith.constant 0 : i32
      %dma_wait3A_87 = tpu.memref_slice %arg4[%add3A_48, %dma_wait3A_86] : memref<204800x64xf32, #tpu.memory_space<hbm>> -> memref<128x64xf32, #tpu.memory_space<hbm>>
      %dma_wait3A_88 = arith.constant 0 : i32
      %dma_wait3A_89 = arith.constant 0 : i32
      %dma_wait3A_90 = tpu.memref_slice %arg6[%run_scoped3A, %dma_wait3A_88, %dma_wait3A_89] : memref<2x128x64xf32, #tpu.memory_space<vmem>> -> memref<1x128x64xf32, #tpu.memory_space<vmem>>
      %dma_wait3A_91 = tpu.memref_squeeze %dma_wait3A_90 : memref<1x128x64xf32, #tpu.memory_space<vmem>> -> memref<128x64xf32, #tpu.memory_space<vmem>>
      tpu.wait_dma2 semaphore(%run_scoped3A_67 : memref<!tpu.dma_semaphore, #tpu.memory_space<semaphore_mem>>) src(%dma_wait3A_91 : memref<128x64xf32, #tpu.memory_space<vmem>>) dst(%dma_wait3A_87 : memref<128x64xf32, #tpu.memory_space<hbm>>)
      tpu.yield
    }) : () -> ()
    %dma_wait3A_49 = arith.constant 1 : i32
    %dma_wait3A_50 = arith.constant 0 : i32
    %dma_wait3A_51 = arith.constant 0 : i32
    %dma_wait3A_52 = tpu.memref_slice %arg6[%dma_wait3A_49, %dma_wait3A_50, %dma_wait3A_51] : memref<2x128x64xf32, #tpu.memory_space<vmem>> -> memref<1x128x64xf32, #tpu.memory_space<vmem>>
    %dma_wait3A_53 = tpu.memref_squeeze %dma_wait3A_52 : memref<1x128x64xf32, #tpu.memory_space<vmem>> -> memref<128x64xf32, #tpu.memory_space<vmem>>
    %dma_wait3A_54 = arith.constant 0 : i32
    %dma_wait3A_55 = arith.constant 0 : i32
    %dma_wait3A_56 = tpu.memref_slice %arg3[%dma_wait3A_54, %dma_wait3A_55] : memref<1000000x64xf32, #tpu.memory_space<hbm>> -> memref<128x64xf32, #tpu.memory_space<hbm>>
    %dma_wait3A_57 = arith.constant 0 : i32
    %dma_wait3A_58 = arith.constant 0 : i32
    %dma_wait3A_59 = tpu.memref_slice %arg6[%dma_wait3A_49, %dma_wait3A_57, %dma_wait3A_58] : memref<2x128x64xf32, #tpu.memory_space<vmem>> -> memref<1x128x64xf32, #tpu.memory_space<vmem>>
    %dma_wait3A_60 = tpu.memref_squeeze %dma_wait3A_59 : memref<1x128x64xf32, #tpu.memory_space<vmem>> -> memref<128x64xf32, #tpu.memory_space<vmem>>
    %dma_wait3A_61 = arith.constant 0 : i32
    %dma_wait3A_62 = arith.constant 0 : i32
    %dma_wait3A_63 = tpu.memref_slice %arg3[%dma_wait3A_61, %dma_wait3A_62] : memref<1000000x64xf32, #tpu.memory_space<hbm>> -> memref<128x64xf32, #tpu.memory_space<hbm>>
    tpu.wait_dma2 semaphore(%arg8 : memref<!tpu.dma_semaphore, #tpu.memory_space<semaphore_mem>>) src(%dma_wait3A_63 : memref<128x64xf32, #tpu.memory_space<hbm>>) dst(%dma_wait3A_60 : memref<128x64xf32, #tpu.memory_space<vmem>>)
    %add3A_64 = arith.constant 6272 : i32
    %add3A_65 = arith.addi %mul3A_2, %add3A_64 : i32
    %run_scoped3A_66 = arith.constant 1 : i32
    "tpu.region"() ({
      %run_scoped3A_67 = tpu.sem_alloc : memref<!tpu.dma_semaphore, #tpu.memory_space<semaphore_mem>>
      %dma_start3A_68 = arith.constant 0 : i32
      %dma_start3A_69 = arith.constant 0 : i32
      %dma_start3A_70 = tpu.memref_slice %arg6[%run_scoped3A_66, %dma_start3A_68, %dma_start3A_69] : memref<2x128x64xf32, #tpu.memory_space<vmem>> -> memref<1x128x64xf32, #tpu.memory_space<vmem>>
      %dma_start3A_71 = tpu.memref_squeeze %dma_start3A_70 : memref<1x128x64xf32, #tpu.memory_space<vmem>> -> memref<128x64xf32, #tpu.memory_space<vmem>>
      %dma_start3A_72 = arith.constant 0 : i32
      %dma_start3A_73 = tpu.memref_slice %arg4[%add3A_65, %dma_start3A_72] : memref<204800x64xf32, #tpu.memory_space<hbm>> -> memref<128x64xf32, #tpu.memory_space<hbm>>
      %dma_start3A_74 = arith.constant 0 : i32
      %dma_start3A_75 = tpu.memref_slice %arg4[%add3A_65, %dma_start3A_74] : memref<204800x64xf32, #tpu.memory_space<hbm>> -> memref<128x64xf32, #tpu.memory_space<hbm>>
      %dma_start3A_76 = arith.constant 0 : i32
      %dma_start3A_77 = arith.constant 0 : i32
      %dma_start3A_78 = tpu.memref_slice %arg6[%run_scoped3A_66, %dma_start3A_76, %dma_start3A_77] : memref<2x128x64xf32, #tpu.memory_space<vmem>> -> memref<1x128x64xf32, #tpu.memory_space<vmem>>
      %dma_start3A_79 = tpu.memref_squeeze %dma_start3A_78 : memref<1x128x64xf32, #tpu.memory_space<vmem>> -> memref<128x64xf32, #tpu.memory_space<vmem>>
      tpu.enqueue_dma source(%dma_start3A_79 : memref<128x64xf32, #tpu.memory_space<vmem>>) target(%dma_start3A_75 : memref<128x64xf32, #tpu.memory_space<hbm>>) target_semaphore(%run_scoped3A_67 : memref<!tpu.dma_semaphore, #tpu.memory_space<semaphore_mem>>)
      %dma_wait3A_80 = arith.constant 0 : i32
      %dma_wait3A_81 = arith.constant 0 : i32
      %dma_wait3A_82 = tpu.memref_slice %arg6[%run_scoped3A_66, %dma_wait3A_80, %dma_wait3A_81] : memref<2x128x64xf32, #tpu.memory_space<vmem>> -> memref<1x128x64xf32, #tpu.memory_space<vmem>>
      %dma_wait3A_83 = tpu.memref_squeeze %dma_wait3A_82 : memref<1x128x64xf32, #tpu.memory_space<vmem>> -> memref<128x64xf32, #tpu.memory_space<vmem>>
      %dma_wait3A_84 = arith.constant 0 : i32
      %dma_wait3A_85 = tpu.memref_slice %arg4[%add3A_65, %dma_wait3A_84] : memref<204800x64xf32, #tpu.memory_space<hbm>> -> memref<128x64xf32, #tpu.memory_space<hbm>>
      %dma_wait3A_86 = arith.constant 0 : i32
      %dma_wait3A_87 = tpu.memref_slice %arg4[%add3A_65, %dma_wait3A_86] : memref<204800x64xf32, #tpu.memory_space<hbm>> -> memref<128x64xf32, #tpu.memory_space<hbm>>
      %dma_wait3A_88 = arith.constant 0 : i32
      %dma_wait3A_89 = arith.constant 0 : i32
      %dma_wait3A_90 = tpu.memref_slice %arg6[%run_scoped3A_66, %dma_wait3A_88, %dma_wait3A_89] : memref<2x128x64xf32, #tpu.memory_space<vmem>> -> memref<1x128x64xf32, #tpu.memory_space<vmem>>
      %dma_wait3A_91 = tpu.memref_squeeze %dma_wait3A_90 : memref<1x128x64xf32, #tpu.memory_space<vmem>> -> memref<128x64xf32, #tpu.memory_space<vmem>>
      tpu.wait_dma2 semaphore(%run_scoped3A_67 : memref<!tpu.dma_semaphore, #tpu.memory_space<semaphore_mem>>) src(%dma_wait3A_91 : memref<128x64xf32, #tpu.memory_space<vmem>>) dst(%dma_wait3A_87 : memref<128x64xf32, #tpu.memory_space<hbm>>)
      tpu.yield
    }) : () -> ()
    return
  }
}

module attributes {stable_mosaic.version = 14 : i64} {
  func.func @_masks_body(%arg0: memref<1024x200xi32, #tpu.memory_space<vmem>>, %arg1: memref<1024x200xi32, #tpu.memory_space<vmem>>, %arg2: memref<200x200xi32, #tpu.memory_space<vmem>>) attributes {dimension_semantics = [], scalar_prefetch = 0 : i64, scratch_operands = 0 : i64, tpu.core_type = #tpu.core_type<tc>} {
    %get3A = arith.constant 0 : index
    %get3A_0 = arith.constant 0 : index
    %get3A_1 = vector.load %arg0[%get3A, %get3A_0] : memref<1024x200xi32, #tpu.memory_space<vmem>>, vector<1024x200xi32>
    %eq3A = arith.constant 0 : i32
    %eq3A_2 = vector.broadcast %eq3A : i32 to vector<1024x200xi32>
    %eq3A_3 = arith.cmpi eq, %get3A_1, %eq3A_2 : vector<1024x200xi32>
    %swap3A = arith.constant 0 : index
    %swap3A_4 = arith.constant 0 : index
    %swap3A_5 = vector.load %arg1[%swap3A, %swap3A_4] : memref<1024x200xi32, #tpu.memory_space<vmem>>, vector<1024x200xi32>
    %swap3A_6 = arith.extui %eq3A_3 : vector<1024x200xi1> to vector<1024x200xi32>
    %swap3A_7 = arith.constant dense<0> : vector<1024x200xi32>
    %swap3A_8 = arith.cmpi ne, %swap3A_5, %swap3A_7 : vector<1024x200xi32>
    tpu.vector_store %arg1[%swap3A, %swap3A_4], %swap3A_6 {strides = array<i32>} : memref<1024x200xi32, #tpu.memory_space<vmem>>, vector<1024x200xi32>,
    %iota3A = tpu.iota {dimensions = array<i32: 0>} : vector<200x200xi32>
    %iota3A_9 = tpu.iota {dimensions = array<i32: 1>} : vector<200x200xi32>
    %gt3A = arith.cmpi sgt, %iota3A_9, %iota3A : vector<200x200xi32>
    %swap3A_10 = arith.constant 0 : index
    %swap3A_11 = arith.constant 0 : index
    %swap3A_12 = vector.load %arg2[%swap3A_10, %swap3A_11] : memref<200x200xi32, #tpu.memory_space<vmem>>, vector<200x200xi32>
    %swap3A_13 = arith.extui %gt3A : vector<200x200xi1> to vector<200x200xi32>
    %swap3A_14 = arith.constant dense<0> : vector<200x200xi32>
    %swap3A_15 = arith.cmpi ne, %swap3A_12, %swap3A_14 : vector<200x200xi32>
    tpu.vector_store %arg2[%swap3A_10, %swap3A_11], %swap3A_13 {strides = array<i32>} : memref<200x200xi32, #tpu.memory_space<vmem>>, vector<200x200xi32>,
    return
  }
}

</mosaic_0001>

<sc_bundles>
// kernel: kernel.4.cloned.1.call-start
scs
__scs_entry_jumppad:
0x0: {  	(pc) =	sbr.rel $0x88, $3  }
0x1: {  	(tag) =	ssettag $0x0;
	lr =	simm.s32 $0x1  }
0x2: {  	[smem:$0x3F9F] =	sst lr;
	_ =	strace $0xD0000000  }
0x3: {  	_ = 	snop  }
0x4: {  	_ = 	snop  }
0x5: {  	_ = 	snop  }
0x6: {  	_ = 	snop  }
0x7: {  	_ = 	snop  }
__scs_overlays_trampoline_lowered:
0x8: {  	[smem:$0x3FAE] =	sst s0  }
0x9: {  	[smem:$0x3FAF] =	sst s1  }
0xa: {  	[smem:$0x3FB0] =	sst s2  }
0xb: {  	[smem:$0x3FB1] =	sst s3  }
0xc: {  	[smem:$0x3FB2] =	sst s4  }
0xd: {  	[smem:$0x3FB3] =	sst s5  }
0xe: {  	[smem:$0x3FB4] =	sst s6  }
0xf: {  	[smem:$0x3FB5] =	sst s7  }
0x10: {  	[smem:$0x3FB6] =	sst s8  }
0x11: {  	[smem:$0x3FB7] =	sst s9;
	s0 =	simm.s32 @!p0 $0x0  }
0x12: {  	s1 =	sld [smem:$0x3F9D];
	s0 =	simm.s32 @p0 $0x1  }
0x13: {  	[smem:$0x3FB8] =	sst s0;
	s0 =	simm.s32 @!p1 $0x0  }
0x14: {  	s2 =	sld [smem:$0x3F9C];
	s0 =	simm.s32 @p1 $0x1  }
0x15: {  	[smem:$0x3FB9] =	sst s0;
	s0 =	simm.s32 @!p2 $0x0  }
0x16: {  	s3 =	sld [smem:$0x3FDB];
	s0 =	simm.s32 @p2 $0x1  }
0x17: {  	s4 =	simm.s32 $0x1BF5;
	[smem:$0x3FBB] =	sst s0  }
0x18: {  	s0 =	sld [smem:$0x3F9E];
	_ =	swait.ge [sflag:s4], $0x0  }
0x19: {  	s7 =	sld [smem:$0x3F9F]  }
0x1a: {  	s8 =	sadd.s32 $0xFFFFE003, lr  }
0x1b: {  	s9 =	sadd.s32 $0xFFFFFEF7, lr;
	s5 =	simm.s32 $0xFFFFFFFF;
	p2 =	slt.u32 s8, $0xFFFFF086  }
0x1c: {  	p1 =	slt.u32 s9, $0xF7A;
	s5 =	simm.s32 @!p2 $0x0  }
0x1d: {  	s5 =	simm.s32 @p1 $0x1;
	p0 =	seq.s32 s7, s2  }
0x1e: {  	s7 =	smul.u32 @!p0 $0xF7A, s2;
	p2 =	seq.s32 @!p0 s5, $0x0  }
0x1f: {  	s9 =	smul.u32 $0xF7A, s1;
	s8 =	simm.s32 @!p0 $0x1BF5;
	p2 =	por !p2, p0  }
0x20: {  	[sflag:s8] =	ssyncset.s32 @!p0 $0xFFFFF086;
	s6 =	sadd.s32 @!p0 s3, s7;
	s7 =	simm.s32 @!p0 $0x108  }
0x21: {  	s3 =	sadd.s32 s3, s9;
	s6 =	sadd.s32 @!p0 $0x88, s6;
	s7 =	simm.s32 @p2 $0x1082  }
0x22: {  	[simem:s7], [sflag:s8] =	dma.local @!p0 [hbm:s6], $0xF7A  }
0x23: {  	s9 =	sor.u32 $0xD0000000, s2;
	s6 =	simm.s32 $0x108;
	_ =	swait.ge @!p0 [sflag:s8], $0x0  }
0x24: {  	s3 =	sadd.s32 $0x88, s3;
	s6 =	simm.s32 @!p1 $0x1082;
	[sflag:s4] =	ssyncset.s32 $0xFFFFF086  }
0x25: {  	[simem:s6], [sflag:s4] =	dma.local [hbm:s3], $0xF7A  }
0x26: {  	[smem:$0x3F9F] =	sst s1;
	(tag) =	ssettag s2;
	_ =	strace s9  }
0x27: {  	s1 =	sld [smem:$0x3FAF]  }
0x28: {  	s2 =	sld [smem:$0x3FB0]  }
0x29: {  	s4 =	sld [smem:$0x3FB2]  }
0x2a: {  	p0 =	seq.s32 s5, $0x0;
	s5 =	sld [smem:$0x3FB3]  }
0x2b: {  	s6 =	sld [smem:$0x3FB4]  }
0x2c: {  	s7 =	sld [smem:$0x3FB5]  }
0x2d: {  	s3 =	simm.s32 $0x108;
	s8 =	sld [smem:$0x3FB6]  }
0x2e: {  	s3 =	simm.s32 @!p0 $0x1082;
	s9 =	sld [smem:$0x3FB7]  }
0x2f: {  	lr =	sadd.s32 s0, s3;
	s0 =	sld [smem:$0x3FAE]  }
0x30: {  	s3 =	sld [smem:$0x3FB1]  }
0x31: {  	[smem:$0x3FBA] =	sst s10  }
0x32: {  	s10 =	sld [smem:$0x3FB8];
	_ =	sdelay $0x3  }
0x33: {  	p0 =	seq.s32 s10, $0x1;
	s10 =	sld [smem:$0x3FBA];
	_ =	sdelay $0x3  }
0x34: {  	[smem:$0x3FBA] =	sst s10  }
0x35: {  	s10 =	sld [smem:$0x3FB9];
	_ =	sdelay $0x3  }
0x36: {  	p1 =	seq.s32 s10, $0x1;
	s10 =	sld [smem:$0x3FBA];
	_ =	sdelay $0x3  }
0x37: {  	[smem:$0x3FBA] =	sst s10  }
0x38: {  	s10 =	sld [smem:$0x3FBB]  }
0x39: {  	_ = 	snop;
	(pc) =	sbr.ind lr, $3  }
0x3a: {  	_ = 	snop  }
0x3b: {  	_ = 	snop  }
0x3c: {  	p2 =	seq.s32 s10, $0x1;
	s10 =	sld [smem:$0x3FBA]  }
0x3d: {  	_ =	shalt  }
0x3e: {  	_ =	shalt  }
0x3f: {  	_ =	shalt  }
0x40: {  	_ =	shalt  }
0x41: {  	_ =	shalt  }
0x42: {  	_ =	shalt  }
0x43: {  	_ =	shalt  }
0x44: {  	_ =	shalt  }
0x45: {  	_ =	shalt  }
0x46: {  	_ =	shalt  }
0x47: {  	_ =	shalt  }
0x48: {  	_ =	shalt  }
0x49: {  	_ =	shalt  }
0x4a: {  	_ =	shalt  }
0x4b: {  	_ =	shalt  }
0x4c: {  	_ =	shalt  }
0x4d: {  	_ =	shalt  }
0x4e: {  	_ =	shalt  }
0x4f: {  	_ =	shalt  }
0x50: {  	_ =	shalt  }
0x51: {  	_ =	shalt  }
0x52: {  	_ =	shalt  }
0x53: {  	_ =	shalt  }
0x54: {  	_ =	shalt  }
0x55: {  	_ =	shalt  }
0x56: {  	_ =	shalt  }
0x57: {  	_ =	shalt  }
0x58: {  	_ =	shalt  }
0x59: {  	_ =	shalt  }
0x5a: {  	_ =	shalt  }
0x5b: {  	_ =	shalt  }
0x5c: {  	_ =	shalt  }
0x5d: {  	_ =	shalt  }
0x5e: {  	_ =	shalt  }
0x5f: {  	_ =	shalt  }
0x60: {  	_ =	shalt  }
0x61: {  	_ =	shalt  }
0x62: {  	_ =	shalt  }
0x63: {  	_ =	shalt  }
0x64: {  	_ =	shalt  }
0x65: {  	_ =	shalt  }
0x66: {  	_ =	shalt  }
0x67: {  	_ =	shalt  }
0x68: {  	_ =	shalt  }
0x69: {  	_ =	shalt  }
0x6a: {  	_ =	shalt  }
0x6b: {  	_ =	shalt  }
0x6c: {  	_ =	shalt  }
0x6d: {  	_ =	shalt  }
0x6e: {  	_ =	shalt  }
0x6f: {  	_ =	shalt  }
0x70: {  	_ =	shalt  }
0x71: {  	_ =	shalt  }
0x72: {  	_ =	shalt  }
0x73: {  	_ =	shalt  }
0x74: {  	_ =	shalt  }
0x75: {  	_ =	shalt  }
0x76: {  	_ =	shalt  }
0x77: {  	_ =	shalt  }
0x78: {  	_ =	shalt  }
0x79: {  	_ =	shalt  }
0x7a: {  	_ =	shalt  }
0x7b: {  	_ =	shalt  }
0x7c: {  	_ =	shalt  }
0x7d: {  	_ =	shalt  }
0x7e: {  	_ =	shalt  }
0x7f: {  	_ =	shalt  }
0x80: {  	_ =	shalt  }
0x81: {  	_ =	shalt  }
0x82: {  	_ =	shalt  }
0x83: {  	_ =	shalt  }
0x84: {  	_ =	shalt  }
0x85: {  	_ =	shalt  }
0x86: {  	_ =	shalt  }
0x87: {  	_ =	shalt  }
.Lfunc_end0:
.L_simem_size_0:
called_computation.1_lowered:
.L_overlay_start_0:
0x88: {  	s2 =	sld [smem:$0x3FD9]  }
0x89: {  	s3 =	sld [smem:$0x3FFE];
	_ =	sdelay $0x1  }
0x8a: {  	s1 =	srdreg.scid  }
0x8b: {  	s0 =	sand.u32 $0x1, s1  }
0x8c: {  	s14 =	sshll.u32 s0, $0xA;
	s2 =	sadd.s32 s3, s2  }
0x8d: {  	s2 =	sadd.s32 s2, s14  }
0x8e: {  	[smem:$0x3FC6] =	sst s2  }
0x8f: {  	_ = 	snop  }
0x90: {  	s2 =	sld [smem:$0x3FD0];
	_ =	sdelay $0x2  }
0x91: {  	s15 =	simm.s32 $0xA;
	s4 =	simm.s32 $0x10  }
0x92: {  	[smem:s4], [sflag:s15] =	dma.local [hbm:s2], $0x1  }
0x93: {  	_ =	swait.eq [sflag:s15], $0x1  }
0x94: {  	[sflag:s15] =	ssyncset.done $0x0  }
0x95: {  	[sflag:s15] =	ssyncadd.s32 $0xFFFFFFFF  }
0x96: {  	s16 =	sld [smem:$0x10];
	(tm) =	ssettm $0x1  }
0x97: {  	s17 =	sld [smem:$0x3FFB];
	_ =	sdelay $0x3  }
0x98: {  	_ =	strace s17  }
0x99: {  	s3 =	sld [smem:$0x3FFC];
	_ =	sdelay $0x3  }
0x9a: {  	_ =	strace s3  }
0x9b: {  	s3 =	sld [smem:$0x3FFD];
	_ =	sdelay $0x3  }
0x9c: {  	_ =	strace s3  }
0x9d: {  	_ =	strace $0x8FFFFFFF  }
0x9e: {  	s18 =	sld [smem:$0x3FDB];
	_ =	sdelay $0x1  }
0x9f: {  	s19 =	simm.s32 $_scs_section_size  }
0xa0: {  	s5 =	simm.s32 $_size__tile_overlayer_lowered;
	s6 =	simm.s32 $_tile_overlayer_lowered  }
0xa1: {  	s22 =	simm.s32 $0x1BFF;
	s21 =	sshll.u32 s6, $0x1;
	s3 =	sadd.s32 s19, s18  }
0xa2: {  	s7 =	simm.s32 $0x0;
	s20 =	sshll.u32 s5, $0x1;
	s5 =	sadd.s32 s21, s3  }
0xa3: {  	[timem:s7], [sflag:s22] =	dma.local [hbm:s5], s20  }
0xa4: {  	_ =	swait.ge [sflag:s22], s20  }
0xa5: {  	s4 =	ssub.s32 $0x0, s20;
	[sflag:s22] =	ssyncset.done $0x0  }
0xa6: {  	[sflag:s22] =	ssyncadd.s32 s4;
	_ =	sdelay $0x1  }
0xa7: {  	s23 =	simm.s32 $0x1B8B  }
0xa8: {  	_ =	swait.ge [sflag:s23], $0x1  }
0xa9: {  	[sflag:s23] =	ssyncset.done $0x0  }
0xaa: {  	s25 =	simm.s32 $0x1B8E;
	s24 =	sld [smem:$0x3FFE];
	[sflag:s23] =	ssyncadd.s32 $0xFFFFFFFF  }
0xab: {  	s26 =	simm.s32 $execute0_lowered;
	[smem:$0x3FD2] =	sst s25  }
0xac: {  	s5 =	sshll.u32 s26, $0x1;
	_ =	strace $0x80000046;
	[dreg:$0x1] =	wrdreg $0xFFFFFFFF  }
0xad: {  	s28 =	simm.s32 $_size_execute0_lowered;
	s3 =	sadd.s32 s3, s5;
	[dreg:$0x0] =	wrdreg $0x0  }
0xae: {  	s5 =	sshll.u32 s28, $0x1;
	[dreg:$0x2] =	wrdreg s3  }
0xaf: {  	[dreg:$0x3] =	wrdreg s5  }
0xb0: {  	[dreg:$0x4] =	wrdreg $0xC0  }
0xb1: {  	_ =	task [dreg:s7], $0x5FFFF  }
0xb2: {  	[dreg:$0x1] =	wrdreg $0xFFFFFFFF  }
0xb3: {  	[dreg:$0x0] =	wrdreg $0x60  }
0xb4: {  	[dreg:$0x2] =	wrdreg s24  }
0xb5: {  	[dreg:$0x3] =	wrdreg s16  }
0xb6: {  	[dreg:$0x4] =	wrdreg $0x9  }
0xb7: {  	_ =	task.clear_ibuf [dreg:s7], $0x5FFFF;
	_ =	strace $0x90000046  }
0xb8: {  	s29 =	simm.s32 $0x9;
	_ =	strace $0x80000048  }
0xb9: {  	_ =	swait.ge [sflag:s29], $0x1  }
0xba: {  	[sflag:s29] =	ssyncadd.s32 $0xFFFFFFFF  }
0xbb: {  	_ =	strace $0x90000048  }
0xbc: {  	_ =	sfence  }
0xbd: {  	s30 =	sld [smem:$0x0];
	_ =	sdelay $0x2  }
0xbe: {  	s31 =	sshll.u32 s1, $0xD;
	s1 =	sshrl.u32 s1, $0x2  }
0xbf: {  	s3 =	sand.u32 $0x4000, s31;
	s1 =	sadd.s32 s1, s30  }
0xc0: {  	s0 =	sor.u32 s3, s0;
	s1 =	sshll.u32 s1, $0x11  }
0xc1: {  	s0 =	sor.u32 s1, s0  }
0xc2: {  	s0 =	sadd.s32 $0x8F2B, s0  }
0xc3: {  	[sflag:s0] =	ssyncadd.remote.s32 $0x1  }
0xc4: {  	_ =	sfence.sel $0xFFFF  }
0xc5: {  	[dreg:$0x0] =	wrdreg $0xFFFFFFFF;
	(pc) =	sbr.abs _section_cstart, $3  }
0xc6: {  	[dreg:$0x1] =	wrdreg $0xFFFFFFFF  }
0xc7: {  	_ =	task.clear_ibuf [dreg:s7], $0x2FFFF;
	_ =	strace $0x9FFFFFFF  }
0xc8: {  	(tm) =	ssettm $0x7FFFFFFF  }
0xc9: {  	_ =	shalt  }
tec
execute0_lowered:
.L_overlay_start_1:
0x0: {  	(tag) =	ssettag $0x1  }
0x1: {  	s1 =	srdreg.scid;
	s3 =	rddreg [dreg:$0x0]  }
0x2: {  	s0 =	stileid.u32;
	s9 =	rddreg [dreg:$0x1];
	s2 =	simm.s32 $0x0  }
0x3: {  	s14 =	simm.s32 $0x1;
	s15 =	simm.s32 $0x2;
	s8 =	smul.u32 $0x19000, s0  }
0x4: {  	s16 =	simm.s32 $0x0;
	s6 =	sand.u32 $0x1, s1;
	s11 =	smul.u32 $0xC8000, s0  }
0x5: {  	s29 =	sshll.u32 s0, $0x1;
	s1 =	rddreg [dreg:$0x2];
	s12 =	smul.u32 $0x64000, s6  }
0x6: {  	[smem:$0x7FF] =	sst s2;
	s4 =	sor.u32 s6, s29;
	s13 =	smul.u32 $0xC800, s6  }
0x7: {  	_ =	strace $0x80000047;
	s7 =	ssub.s32 $0x2, s6;
	s5 =	smul.u32 $0x320, s4  }
0x8: {  	s4 =	smul.u32 $0x64000, s4;
	s10 =	sshrl.u32 s7, $0x1;
	s8 =	sadd.s32 s8, s9  }
0x9: {  	s7 =	ssub.s32 s7, s10;
	s31 =	sadd.s32 s12, s11;
	s8 =	sadd.s32 s13, s8  }
0xa: {  	s11 =	simm.s32 $0x80;
	s12 =	simm.s32 $0x1900;
	s13 =	simm.s32 $0x3900  }
0xb: {  	s5 =	sadd.s32 s5, s3;
	s3 =	sadd.s32 $0xF51600, s3;
	s4 =	sshrl.u32 s4, $0x3  }
0xc: {  	s7 =	smax.u32 s7, $0x1;
	s10 =	sshrl.u32 s31, $0x3;
	s8 =	sadd.s32 $0x400, s8  }
0xd: {  	s30 =	sadd.s32 s9, s4;
	s4 =	sadd.s32 $0x8E00, s5;
	s9 =	sadd.s32 s10, s9  }
0xe: {  	s10 =	simm.s32 $0x3;
	s5 =	sadd.s32 $0xC000, s30;
	s6 =	sadd.s32 $0xC400, s30  }
.LBB2_1:
0xf: {  	[tilespmem:s2], [sflag:$0x3] =	stream.linear.gather [hbm4b:s4+s2], $0x1900, $0x38;
	[tilespmem:$0x5900] =	vst v63  }
0x10: {  	_ =	swait.ge [sflag:s10], $0x1900  }
0x11: {  	[sflag:s10] =	ssyncset.done $0x0  }
0x12: {  	[sflag:s10] =	ssyncadd.s32 $0xFFFFE700  }
0x13: {  	[tilespmem:s12], [sflag:$0x1] =	stream.indirect.gather [hbm4b:s3+s11], $0x40, s2, s11, $0xb8;
	[tilespmem:$0x5900] =	vst v63  }
0x14: {  	_ = 	snop  }
0x15: {  	[tilespmem:s13], [sflag:$0x2] =	stream.indirect.gather [hbm4b:s3+s11], $0x40, s11, s11, $0xb8;
	[tilespmem:$0x5900] =	vst v63  }
0x16: {  	_ =	swait.ge [sflag:s14], $0x2000  }
0x17: {  	[sflag:s14] =	ssyncset.done $0x0  }
0x18: {  	s17 =	sadd.s32 $0x0, s9;
	[sflag:s14] =	ssyncadd.s32 $0xFFFFE000  }
0x19: {  	[hbm4b:s17+s2] =	stream.linear.scatter [tilespmem:s12], [sflag:$0x3], $0x2000, $0x38;
	[tilespmem:$0x5900] =	vst v63  }
0x1a: {  	_ =	swait.ge [sflag:s10], $0x2000  }
0x1b: {  	[sflag:s10] =	ssyncset.done $0x0  }
0x1c: {  	s30 =	simm.s32 $0x100;
	[sflag:s10] =	ssyncadd.s32 $0xFFFFE000  }
0x1d: {  	[tilespmem:s12], [sflag:$0x1] =	stream.indirect.gather [hbm4b:s3+s11], $0x40, s30, s11, $0xb8;
	[tilespmem:$0x5900] =	vst v63  }
0x1e: {  	_ =	swait.ge [sflag:s15], $0x2000  }
0x1f: {  	[sflag:s15] =	ssyncset.done $0x0  }
0x20: {  	s31 =	sadd.s32 $0x0, s8;
	[sflag:s15] =	ssyncadd.s32 $0xFFFFE000  }
0x21: {  	[hbm4b:s31+s2] =	stream.linear.scatter [tilespmem:s13], [sflag:$0x3], $0x2000, $0x38;
	[tilespmem:$0x5900] =	vst v63  }
0x22: {  	_ =	swait.ge [sflag:s10], $0x2000  }
0x23: {  	s18 =	simm.s32 $0x800;
	[sflag:s10] =	ssyncset.done $0x0  }
0x24: {  	s19 =	simm.s32 $0x280;
	s17 =	simm.s32 $0x180;
	[sflag:s10] =	ssyncadd.s32 $0xFFFFE000  }
.LBB2_2:
0x25: {  	[tilespmem:s13], [sflag:$0x2] =	stream.indirect.gather [hbm4b:s3+s11], $0x40, s17, s11, $0xb8;
	[tilespmem:$0x5900] =	vst v63  }
0x26: {  	s20 =	smov.u32 s18;
	s17 =	smov.u32 s19  }
0x27: {  	p0 =	sne.s32 s18, $0xB800;
	s18 =	sadd.s32 $0x800, s18;
	_ =	swait.ge [sflag:s14], $0x2000  }
0x28: {  	[sflag:s14] =	ssyncset.done $0x0  }
0x29: {  	s21 =	sadd.s32 s20, s9;
	[sflag:s14] =	ssyncadd.s32 $0xFFFFE000  }
0x2a: {  	[hbm4b:s21+s2] =	stream.linear.scatter [tilespmem:s12], [sflag:$0x3], $0x2000, $0x38;
	[tilespmem:$0x5900] =	vst v63  }
0x2b: {  	_ =	swait.ge [sflag:s10], $0x2000  }
0x2c: {  	[sflag:s10] =	ssyncset.done $0x0  }
0x2d: {  	s21 =	sadd.s32 $0xFFFFFF80, s19;
	[sflag:s10] =	ssyncadd.s32 $0xFFFFE000  }
0x2e: {  	[tilespmem:s12], [sflag:$0x1] =	stream.indirect.gather [hbm4b:s3+s11], $0x40, s21, s11, $0xb8;
	[tilespmem:$0x5900] =	vst v63  }
0x2f: {  	_ =	swait.ge [sflag:s15], $0x2000  }
0x30: {  	[sflag:s15] =	ssyncset.done $0x0  }
.Ltmp0:
0x31: {  	s20 =	sadd.s32 s20, s8;
	[sflag:s15] =	ssyncadd.s32 $0xFFFFE000;
	(pc) =	sbr.rel @p0 .LBB2_2-.Ltmp0, $4  }
0x32: {  	[hbm4b:s20+s2] =	stream.linear.scatter [tilespmem:s13], [sflag:$0x3], $0x2000, $0x38;
	[tilespmem:$0x5900] =	vst v63  }
0x33: {  	_ =	swait.ge [sflag:s10], $0x2000  }
0x34: {  	[sflag:s10] =	ssyncset.done $0x0  }
0x35: {  	s19 =	sadd.s32 $0x100, s19;
	[sflag:s10] =	ssyncadd.s32 $0xFFFFE000  }
0x36: {  	[tilespmem:s13], [sflag:$0x2] =	stream.indirect.gather [hbm4b:s3+s11], $0x40, s17, s11, $0xb8;
	[tilespmem:$0x5900] =	vst v63  }
0x37: {  	_ =	swait.ge [sflag:s14], $0x2000  }
0x38: {  	[sflag:s14] =	ssyncset.done $0x0  }
0x39: {  	[sflag:s14] =	ssyncadd.s32 $0xFFFFE000  }
0x3a: {  	[hbm4b:s5+s2] =	stream.linear.scatter [tilespmem:s12], [sflag:$0x3], $0x2000, $0x38;
	[tilespmem:$0x5900] =	vst v63  }
0x3b: {  	_ =	swait.ge [sflag:s10], $0x2000  }
0x3c: {  	[sflag:s10] =	ssyncset.done $0x0  }
0x3d: {  	[sflag:s10] =	ssyncadd.s32 $0xFFFFE000  }
0x3e: {  	s16 =	sadd.s32 $0x1, s16;
	_ =	swait.ge [sflag:s15], $0x2000  }
0x3f: {  	p0 =	sne.s32 s16, s7;
	[sflag:s15] =	ssyncset.done $0x0  }
.Ltmp1:
0x40: {  	[sflag:s15] =	ssyncadd.s32 $0xFFFFE000;
	(pc) =	sbr.rel @p0 .LBB2_1-.Ltmp1, $4  }
0x41: {  	[hbm4b:s6+s2] =	stream.linear.scatter [tilespmem:s13], [sflag:$0x3], $0x2000, $0x38;
	[tilespmem:$0x5900] =	vst v63  }
0x42: {  	_ =	swait.ge [sflag:s10], $0x2000  }
0x43: {  	[sflag:s10] =	ssyncset.done $0x0  }
0x44: {  	[sflag:s10] =	ssyncadd.s32 $0xFFFFE000  }
0x45: {  	_ =	sfence.sel $0x180000  }
0x46: {  	[bflag:$0x0] =	sbarrier.arrive $0xFFFF  }
0x47: {  	p0 =	sne.s32 s0, $0x0;
	_ =	strace $0x90000047  }
0x48: {  	s0 =	sadd.s32 @!p0 $0x100000, s1;
	[bflag:$0x2] =	sbarrier.arrive $0xFFFF  }
0x49: {  	[sflag:s0] =	ssyncadd.tile.s32 @!p0 $0x1;
	_ =	shalt  }
.Lfunc_end2:
_tile_overlayer_lowered:
.L_overlay_start_2:
0x4a: {  	(tag) =	ssettag $0x2  }
0x4b: {  	s0 =	rddreg [dreg:$0x0];
	s2 =	stileid.u32  }
0x4c: {  	s1 =	rddreg [dreg:$0x1];
	p0 =	sne.s32 s2, $0x0  }
0x4d: {  	s3 =	rddreg [dreg:$0x2];
	[bflag:$0x3] =	sbarrier.arrive $0xFFFF;
	s2 =	simm.s32 @!p0 $0x1C03  }
0x4e: {  	[timem:s3], [sflag:s2] =	dma.local @!p0 [hbm:s0], s1  }
0x4f: {  	s0 =	simm.s32 @!p0 $0x3  }
0x50: {  	_ =	swait.ge @!p0 [sflag:s0], s1  }
0x51: {  	s1 =	ssub.s32 @!p0 $0x0, s1;
	[sflag:s0] =	ssyncset.done @!p0 $0x0  }
0x52: {  	[sflag:s0] =	ssyncadd.s32 @!p0 s1  }
0x53: {  	[bflag:$0x3] =	sbarrier.arrive $0xFFFF  }
0x54: {  	_ =	shalt  }

// kernel: sparse-core-data-format-call.cloned.1.call-start
scs
called_computation_lowered:
.L_overlay_start_0:
0x0: {  	s2 =	sld [smem:$0x3FD9]  }
0x1: {  	s3 =	sld [smem:$0x3FFE];
	_ =	sdelay $0x1  }
0x2: {  	s1 =	srdreg.scid  }
0x3: {  	s0 =	sand.u32 $0x1, s1  }
0x4: {  	s15 =	sshll.u32 s0, $0xA;
	s2 =	sadd.s32 s3, s2  }
0x5: {  	s2 =	sadd.s32 s2, s15  }
0x6: {  	[smem:$0x3FC6] =	sst s2  }
0x7: {  	_ = 	snop  }
0x8: {  	s2 =	sld [smem:$0x3FD0];
	_ =	sdelay $0x2  }
0x9: {  	s16 =	simm.s32 $0xA;
	s4 =	simm.s32 $0x10  }
0xa: {  	[smem:s4], [sflag:s16] =	dma.local [hbm:s2], $0x1  }
0xb: {  	_ =	swait.eq [sflag:s16], $0x1  }
0xc: {  	[sflag:s16] =	ssyncset.done $0x0  }
0xd: {  	[sflag:s16] =	ssyncadd.s32 $0xFFFFFFFF  }
0xe: {  	s17 =	sld [smem:$0x10];
	(tm) =	ssettm $0x1  }
0xf: {  	s18 =	sld [smem:$0x3FFB];
	_ =	sdelay $0x3  }
0x10: {  	_ =	strace s18  }
0x11: {  	s3 =	sld [smem:$0x3FFC];
	_ =	sdelay $0x3  }
0x12: {  	_ =	strace s3  }
0x13: {  	s3 =	sld [smem:$0x3FFD];
	_ =	sdelay $0x3  }
0x14: {  	_ =	strace s3  }
0x15: {  	_ =	strace $0x8FFFFFFF  }
0x16: {  	s19 =	sld [smem:$0x3FDB];
	_ =	sdelay $0x1  }
0x17: {  	s20 =	simm.s32 $_scs_section_size  }
0x18: {  	s5 =	simm.s32 $_size__tile_overlayer_lowered;
	s6 =	simm.s32 $_tile_overlayer_lowered  }
0x19: {  	s23 =	simm.s32 $0x1BFF;
	s22 =	sshll.u32 s6, $0x1;
	s3 =	sadd.s32 s20, s19  }
0x1a: {  	s7 =	simm.s32 $0x0;
	s21 =	sshll.u32 s5, $0x1;
	s5 =	sadd.s32 s22, s3  }
0x1b: {  	[timem:s7], [sflag:s23] =	dma.local [hbm:s5], s21  }
0x1c: {  	_ =	swait.ge [sflag:s23], s21  }
0x1d: {  	s4 =	ssub.s32 $0x0, s21;
	[sflag:s23] =	ssyncset.done $0x0  }
0x1e: {  	[sflag:s23] =	ssyncadd.s32 s4;
	_ =	sdelay $0x1  }
0x1f: {  	s24 =	simm.s32 $0x1B8B  }
0x20: {  	_ =	swait.ge [sflag:s24], $0x1  }
0x21: {  	[sflag:s24] =	ssyncset.done $0x0  }
0x22: {  	s26 =	simm.s32 $0x1B8E;
	s25 =	sld [smem:$0x3FFE];
	[sflag:s24] =	ssyncadd.s32 $0xFFFFFFFF  }
0x23: {  	s27 =	simm.s32 $execute0_lowered;
	[smem:$0x3FD2] =	sst s26  }
0x24: {  	s5 =	sshll.u32 s27, $0x1;
	_ =	strace $0x80000049;
	[dreg:$0x1] =	wrdreg $0xFFFFFFFF  }
0x25: {  	s28 =	simm.s32 $_size_execute0_lowered;
	s3 =	sadd.s32 s3, s5;
	[dreg:$0x0] =	wrdreg $0x0  }
0x26: {  	s5 =	sshll.u32 s28, $0x1;
	[dreg:$0x2] =	wrdreg s3  }
0x27: {  	[dreg:$0x3] =	wrdreg s5  }
0x28: {  	[dreg:$0x4] =	wrdreg $0xC0  }
0x29: {  	_ =	task [dreg:s7], $0x5FFFF  }
0x2a: {  	[dreg:$0x1] =	wrdreg $0xFFFFFFFF  }
0x2b: {  	[dreg:$0x0] =	wrdreg $0x60  }
0x2c: {  	[dreg:$0x2] =	wrdreg s25  }
0x2d: {  	[dreg:$0x3] =	wrdreg s17  }
0x2e: {  	[dreg:$0x4] =	wrdreg $0x9  }
0x2f: {  	_ =	task.clear_ibuf [dreg:s7], $0x5FFFF;
	_ =	strace $0x90000049  }
0x30: {  	s29 =	simm.s32 $0x9;
	_ =	strace $0x8000004B  }
0x31: {  	_ =	swait.ge [sflag:s29], $0x1  }
0x32: {  	[sflag:s29] =	ssyncadd.s32 $0xFFFFFFFF  }
0x33: {  	_ =	strace $0x9000004B  }
0x34: {  	_ =	sfence  }
0x35: {  	s30 =	sld [smem:$0x0];
	_ =	sdelay $0x2  }
0x36: {  	s31 =	sshll.u32 s1, $0xD;
	s1 =	sshrl.u32 s1, $0x2  }
0x37: {  	s3 =	sand.u32 $0x4000, s31;
	s1 =	sadd.s32 s1, s30  }
0x38: {  	s0 =	sor.u32 s3, s0;
	s1 =	sshll.u32 s1, $0x11  }
0x39: {  	s0 =	sor.u32 s1, s0  }
0x3a: {  	s0 =	sadd.s32 $0x8F2B, s0  }
0x3b: {  	[sflag:s0] =	ssyncadd.remote.s32 $0x1  }
0x3c: {  	_ =	sfence.sel $0xFFFF  }
0x3d: {  	[dreg:$0x0] =	wrdreg $0xFFFFFFFF;
	(pc) =	sbr.abs _section_cstart, $3  }
0x3e: {  	[dreg:$0x1] =	wrdreg $0xFFFFFFFF  }
0x3f: {  	_ =	task.clear_ibuf [dreg:s7], $0x2FFFF;
	_ =	strace $0x9FFFFFFF  }
0x40: {  	(tm) =	ssettm $0x7FFFFFFF  }
0x41: {  	_ =	shalt  }
tec
execute0_lowered:
.L_overlay_start_1:
0x0: {  	(tag) =	ssettag $0x1  }
0x1: {  	s0 =	stileid.u32;
	s6 =	rddreg [dreg:$0x0]  }
0x2: {  	s2 =	rddreg [dreg:$0x1];
	s5 =	srdreg.scid  }
0x3: {  	s31 =	simm.s32 $0x2;
	s13 =	simm.s32 $0x0;
	s1 =	sshll.u32 s0, $0x7  }
0x4: {  	s14 =	simm.s32 $0x0;
	s12 =	simm.s32 $0x0;
	s3 =	sand.u32 $0x380, s1  }
0x5: {  	s5 =	sshll.u32 s5, $0x4;
	s6 =	sadd.s32 $0x8E00, s6;
	s4 =	ssub.s32 $0x400, s3  }
0x6: {  	s1 =	rddreg [dreg:$0x2];
	_ =	strace $0x8000004A;
	s7 =	sand.u32 $0x380, s4  }
0x7: {  	s5 =	sand.u32 $0x10, s5;
	p0 =	sne.s32 s7, $0x0;
	s7 =	simm.s32 $0x1  }
.Ltmp0:
0x8: {  	s8 =	sshrl.u32 s4, $0xA;
	s7 =	simm.s32 @!p0 $0x0;
	(pc) =	sbr.rel .LBB1_1-.Ltmp0, $4  }
0x9: {  	s9 =	sor.u32 s0, s5;
	s4 =	simm.s32 $0x1;
	s30 =	sadd.s32 s7, s8  }
0xa: {  	s11 =	smov.u32 s3;
	[sflag:s4] =	ssyncpa.u1 $0x0;
	s5 =	smul.u32 $0x32, s30  }
0xb: {  	[sflag:s31] =	ssyncpa.u1 $0x0;
	p0 =	por $0x0, $0x0;
	s7 =	sshrl.u32 s9, $0x3  }
0xc: {  	s9 =	simm.s32 $0x2000;
	s10 =	smov.u32 s7;
	s8 =	sor.u32 $0x1, s5  }
.LBB1_4:
0xd: {  	s17 =	sand.u32 $0x1F80, s14;
	s13 =	sshll.u32 s13, $0xD  }
0xe: {  	[tilespmem:s16+$0x810 ss:$0x81] =	vst.msk $0xffff, v2;
	s18 =	sshrl.u32 s14, $0x3;
	s31 =	sand.u32 $0x7, s14;
	s17 =	sadd.s32 s2, s17  }
0xf: {  	[tilespmem:s16+$0x1020 ss:$0x81] =	vst.msk $0xffff, v0;
	s18 =	sand.u32 $0xF, s18;
	s14 =	sshll.u32 s31, $0x12;
	s13 =	sadd.s32 s13, s17  }
0x10: {  	[tilespmem:s16+$0x0 ss:$0x81] =	vst.msk $0xffff, v1;
	s14 =	sor.u32 $0x400, s14;
	s13 =	sadd.s32 s18, s13  }
0x11: {  	[hbm4b:s13+s14] =	stream.strided.scatter [tilespmem:s15], [sflag:$0x2], $0x2000, s9, s14, $0x20;
	[tilespmem:$0x8080] =	vst v63  }
.LBB1_5:
0x12: {  	s15 =	sadd.s32 $0x4, s10  }
0x13: {  	s13 =	sadd.s32 $0x400, s11;
	s17 =	smov.u32 s11;
	p2 =	sgt.s32 s15, $0xC7  }
0x14: {  	s17 =	smov.u32 @p2 s13  }
0x15: {  	s15 =	smov.u32 @p2 s7;
	p2 =	sgt.s32 s17, $0x3FF  }
0x16: {  	s17 =	smov.u32 @p2 s3;
	p2 =	sne.s32 s12, s8  }
.Ltmp1:
0x17: {  	p1 =	slt.u32 s12, $0x2;
	(pc) =	sbr.rel @!p2 .LBB1_6-.Ltmp1, $4  }
0x18: {  	s16 =	simm.s32 @!p1 $0x2  }
0x19: {  	s14 =	smov.u32 s11;
	p0 =	por !p0, !p0;
	_ =	swait.ge @!p1 [sflag:s16], $0x2000  }
0x1a: {  	s13 =	smov.u32 s10;
	[sflag:s16] =	ssyncset.done @!p1 $0x0;
	s10 =	smov.u32 s15  }
0x1b: {  	s12 =	sadd.s32 $0x1, s12;
	[sflag:s16] =	ssyncadd.s32 @!p1 $0xFFFFE000;
	s11 =	smov.u32 s17  }
.LBB1_1:
0x1c: {  	p1 =	sge.u32 s12, s5  }
0x1d: {  	s15 =	sand.u32 @!p1 $0x1FFFFFF, s10  }
0x1e: {  	s16 =	smulhi.u32 @!p1 $0x147AE15, s15;
	_ =	sdelay $0x1  }
0x1f: {  	s16 =	smul.u32 @!p1 $0xC8, s16  }
0x20: {  	s17 =	sxor.u32 @!p1 $0xFFFFFFFF, s12;
	s18 =	smul.u32 @!p1 $0xC80, s11  }
0x21: {  	s31 =	sadd.s32 $0xFFFFFFFF, s12;
	s17 =	sshll.u32 @!p1 s17, $0xD;
	s15 =	ssub.s32 @!p1 s15, s16  }
0x22: {  	s16 =	sand.u32 @!p1 $0x2000, s17;
	s17 =	sadd.s32 @!p1 s6, s18;
	s15 =	sshll.u32 @!p1 s15, $0x4  }
0x23: {  	s18 =	simm.s32 @!p1 $0x6400;
	s15 =	sadd.s32 @!p1 s15, s17;
	s17 =	simm.s32 @!p1 $0x40  }
0x24: {  	[tilespmem:s16], [sflag:$0x1] =	stream.strided.gather @!p1 [hbm4b:s15+s17], $0x2000, s18, s17, $0x38;
	[tilespmem:$0x8080] =	vst v63  }
0x25: {  	p1 =	sge.u32 s31, s5  }
.Ltmp2:
0x26: {  	_ = 	snop;
	(pc) =	sbr.rel @p1 .LBB1_5-.Ltmp2, $1  }
0x27: {  	_ =	sdelay $0x3  }
0x28: {  	s15 =	simm.s32 $0x1  }
0x29: {  	_ =	swait.ge [sflag:s4], $0x2000;
	s15 =	simm.s32 @!p0 $0x0  }
0x2a: {  	[sflag:s4] =	ssyncset.done $0x0;
	s16 =	sshll.u32 s15, $0xD  }
0x2b: {  	[sflag:s4] =	ssyncadd.s32 $0xFFFFE000;
	s19 =	sor.u32 $0x20, s16  }
0x2c: {  	s15 =	smul.u32 $0x8100, s15;
	v3 =	vld [tilespmem:s19+$0x10]  }
0x2d: {  	s30 =	sand.u32 $0x1, s12;
	v2 =	vld [tilespmem:s19+$0xFFFFFFF0]  }
0x2e: {  	s16 =	smul.u32 $0x8100, s30;
	s15 =	sshrl.u32 s15, $0x2;
	v0 =	vld [tilespmem:s19+$0x0]  }
0x2f: {  	v1 =	vld [tilespmem:s19+$0xFFFFFFE0];
	s17 =	sor.u32 $0x4000, s15  }
0x30: {  	s31 =	sshrl.u32 s16, $0x2;
	s16 =	sadd.s32 $0x0, s17  }
0x31: {  	s18 =	simm.s32 $0x4;
	s19 =	sadd.s32 $0x40, s19;
	s15 =	sor.u32 $0x4000, s31;
	[tilespmem:s16+$0x1830 ss:$0x81] =	vst.msk $0xffff, v3  }
.LBB1_3:
0x32: {  	v3 =	vld [tilespmem:s19+$0x10];
	p1 =	sne.s32 s18, $0x1FC;
	[tilespmem:s16+$0x810 ss:$0x81] =	vst.msk $0xffff, v2;
	s20 =	smov.u32 s18;
	s18 =	sadd.s32 $0x4, s18  }
.Ltmp3:
0x33: {  	v2 =	vld [tilespmem:s19+$0xFFFFFFF0];
	[tilespmem:s16+$0x1020 ss:$0x81] =	vst.msk $0xffff, v0;
	(pc) =	sbr.rel @p1 .LBB1_3-.Ltmp3, $4  }
0x34: {  	v0 =	vld [tilespmem:s19+$0x0];
	[tilespmem:s16+$0x0 ss:$0x81] =	vst.msk $0xffff, v1  }
0x35: {  	s16 =	sshra.s32 s20, $0x2;
	v1 =	vld [tilespmem:s19+$0xFFFFFFE0]  }
0x36: {  	s16 =	sadd.s32 s16, s17  }
0x37: {  	s19 =	sadd.s32 $0x40, s19;
	[tilespmem:s16+$0x1830 ss:$0x81] =	vst.msk $0xffff, v3  }
.Ltmp4:
0x38: {  	_ = 	snop;
	(pc) =	sbr.rel .LBB1_4-.Ltmp4, $1  }
0x39: {  	_ =	sdelay $0x3  }
.LBB1_6:
0x3a: {  	_ =	sfence.sel $0x180000  }
0x3b: {  	s2 =	simm.s32 $0x1;
	[bflag:$0x0] =	sbarrier.arrive $0xFFFF  }
0x3c: {  	s31 =	simm.s32 $0x2;
	[sflag:s2] =	ssyncpa.u1 $0x1  }
0x3d: {  	[sflag:s31] =	ssyncpa.u1 $0x1  }
0x3e: {  	p0 =	sne.s32 s0, $0x0;
	_ =	strace $0x9000004A  }
0x3f: {  	s0 =	sadd.s32 @!p0 $0x100000, s1;
	[bflag:$0x2] =	sbarrier.arrive $0xFFFF  }
0x40: {  	[sflag:s0] =	ssyncadd.tile.s32 @!p0 $0x1;
	_ =	shalt  }
.Lfunc_end1:
_tile_overlayer_lowered:
.L_overlay_start_2:
0x41: {  	(tag) =	ssettag $0x2  }
0x42: {  	s0 =	rddreg [dreg:$0x0];
	s2 =	stileid.u32  }
0x43: {  	s1 =	rddreg [dreg:$0x1];
	p0 =	sne.s32 s2, $0x0  }
0x44: {  	s3 =	rddreg [dreg:$0x2];
	[bflag:$0x3] =	sbarrier.arrive $0xFFFF;
	s2 =	simm.s32 @!p0 $0x1C01  }
0x45: {  	[timem:s3], [sflag:s2] =	dma.local @!p0 [hbm:s0], s1  }
0x46: {  	s0 =	simm.s32 @!p0 $0x1  }
0x47: {  	_ =	swait.ge @!p0 [sflag:s0], s1  }
0x48: {  	s1 =	ssub.s32 @!p0 $0x0, s1;
	[sflag:s0] =	ssyncset.done @!p0 $0x0  }
0x49: {  	[sflag:s0] =	ssyncadd.s32 @!p0 s1  }
0x4a: {  	[bflag:$0x3] =	sbarrier.arrive $0xFFFF  }
0x4b: {  	_ =	shalt  }

</sc_bundles>
